<compile_context>
chip_gen: v7x
topology: tpu7x:2x2x1
jax: 0.10.2.dev20260603
libtpu: 0.0.44.dev20260713+nightly
codegen_flags: <defaults>
</compile_context>

<pallas_src>
import jax
import jax.numpy as jnp
from jax.experimental import pallas as pl

_BLK = 4096


def _body(x_ref, w_ref, s_ref, o_ref):
    xb = x_ref[0]
    w = w_ref[...]
    S = jax.lax.dot_general(w, xb, (((1,), (1,)), ((), ())),
                            preferred_element_type=jnp.float32)
    s1d = S[0:1, :]
    xrd = S[1:2, :]

    b_cheb = s_ref[0:1, 0:1]
    wt = s_ref[0:1, 1:2]
    b_time = s_ref[0:1, 2:3]
    b_res = s_ref[0:1, 3:4]
    gamma = s_ref[0:1, 4:5]
    beta = s_ref[0:1, 5:6]
    wf = s_ref[0:1, 6:7]
    bf = s_ref[0:1, 7:8]

    s1 = jnp.maximum(s1d + b_cheb, 0.0)
    xt = s1 * wt + b_time
    xr = xrd + b_res
    z = jnp.maximum(xr + xt, 0.0)
    mu = z
    zc = z - mu
    var = zc * zc
    zn = zc * jax.lax.rsqrt(var + 1e-5) * gamma + beta
    o_ref[...] = zn * wf + bf


@jax.jit
def _run(x, W_cheb, b_cheb, W_time, b_time, W_res, b_res,
         ln_gamma, ln_beta, W_final, b_final):
    _, n, f_in, _ = x.shape
    x3 = x.reshape(x.shape[0], n, f_in)
    w = jnp.zeros((8, f_in), jnp.float32)
    w = w.at[0].set(W_cheb[:, 0]).at[1].set(W_res[0, :, 0, 0])
    scal = jnp.stack([
        b_cheb[0], W_time[0, 0, 0, 1], b_time[0], b_res[0],
        ln_gamma[0], ln_beta[0], W_final[0, 0, 0, 0], b_final[0],
    ])[None, :]

    grid = (pl.cdiv(n, _BLK),)
    out = pl.pallas_call(
        _body,
        grid=grid,
        in_specs=[
            pl.BlockSpec((1, _BLK, f_in), lambda i: (0, i, 0)),
            pl.BlockSpec((8, f_in), lambda i: (0, 0)),
            pl.BlockSpec((1, 8), lambda i: (0, 0)),
        ],
        out_specs=pl.BlockSpec((1, _BLK), lambda i: (0, i)),
        out_shape=jax.ShapeDtypeStruct((1, n), jnp.float32),
    )(x3, w, scal)
    return out.reshape(n, 1)


def kernel(x, edge_index, edge_weight, W_cheb, b_cheb, W_time, b_time,
           W_res, b_res, ln_gamma, ln_beta, W_final, b_final):
    del edge_index, edge_weight
    out = _run(x, W_cheb, b_cheb, W_time, b_time, W_res, b_res,
               ln_gamma, ln_beta, W_final, b_final)
    return (out,)

# --- scband reference (transcript-rebuilt; emitter-appended) ---
"""Pipeline reference for scband-model-1778116460932 (READ-ONLY COPY).

The authoritative reference and input builder live on the scoring server;
editing this copy changes nothing except your own understanding.
"""

import jax, jax.numpy as jnp
import numpy as np

B, N, F_IN, T = 4, 33191, 128, 1
E = 531056


def setup_inputs(seed: int = 0):
    key = jax.random.key(seed)
    ks = jax.random.split(key, 8)
    x = jax.random.normal(ks[0], (B, N, F_IN, T), dtype=jnp.float32)
    edge_index = jax.random.randint(ks[1], (2, E), 0, N, dtype=jnp.int32)
    edge_weight = jax.random.uniform(ks[2], (E,), dtype=jnp.float32)
    s = 1.0 / np.sqrt(F_IN)
    W_cheb = jax.random.uniform(ks[3], (F_IN, 1), dtype=jnp.float32, minval=-s, maxval=s)
    b_cheb = jnp.zeros((1,), dtype=jnp.float32)
    W_time = jax.random.uniform(ks[4], (1, 1, 1, 3), dtype=jnp.float32, minval=-0.5, maxval=0.5)
    b_time = jnp.zeros((1,), dtype=jnp.float32)
    W_res = jax.random.uniform(ks[5], (1, F_IN, 1, 1), dtype=jnp.float32, minval=-s, maxval=s)
    b_res = jnp.zeros((1,), dtype=jnp.float32)
    ln_gamma = jnp.ones((1,), dtype=jnp.float32)
    ln_beta = jnp.zeros((1,), dtype=jnp.float32)
    W_final = jax.random.uniform(ks[6], (1, 1, 1, 1), dtype=jnp.float32, minval=-1.0, maxval=1.0)
    b_final = jnp.zeros((1,), dtype=jnp.float32)
    return {'x': x, 'edge_index': edge_index, 'edge_weight': edge_weight,
            'W_cheb': W_cheb, 'b_cheb': b_cheb, 'W_time': W_time, 'b_time': b_time,
            'W_res': W_res, 'b_res': b_res, 'ln_gamma': ln_gamma, 'ln_beta': ln_beta,
            'W_final': W_final, 'b_final': b_final}


def _mstgcn_forward(x, W_cheb, b_cheb, W_time, b_time, W_res, b_res, ln_gamma, ln_beta, W_final, b_final):
    # MSTGCN with nb_block=1, K=1, nb_chev_filter=1, nb_time_filter=1,
    # time_strides=1, num_for_predict=1, len_input=1.
    # ChebConv with K=1 reduces to out = x @ W + b (only T_0 term; edge_index
    # does not affect the math), applied per time step.
    num_t = x.shape[3]
    X_tilde = []
    for t in range(num_t):
        X_tilde.append((x[:, :, :, t] @ W_cheb + b_cheb)[..., None])
    X_tilde = jax.nn.relu(jnp.concatenate(X_tilde, axis=-1))  # (B, N, C=1, T)
    X_tilde = jnp.transpose(X_tilde, (0, 2, 1, 3))  # (B, C, N, T)
    # time conv: Conv2d(1, 1, kernel=(1,3), stride=(1,1), padding=(0,1))
    Xt = jax.lax.conv_general_dilated(X_tilde, W_time, (1, 1), ((0, 0), (1, 1)),
                                      dimension_numbers=('NCHW', 'OIHW', 'NCHW'))
    Xt = Xt + b_time.reshape(1, -1, 1, 1)
    # residual conv: Conv2d(F_in, 1, kernel=(1,1), stride=(1,1))
    Xr = jnp.transpose(x, (0, 2, 1, 3))  # (B, F_in, N, T)
    Xr = jnp.einsum('bfnt,of->bont', Xr, W_res[:, :, 0, 0]) + b_res.reshape(1, -1, 1, 1)
    Z = jax.nn.relu(Xr + Xt)  # (B, 1, N, T)
    Z = jnp.transpose(Z, (0, 3, 2, 1))  # (B, T, N, F_time)
    # LayerNorm over last dim (size nb_time_filter=1)
    mu = jnp.mean(Z, axis=-1, keepdims=True)
    var = jnp.mean((Z - mu) ** 2, axis=-1, keepdims=True)
    Z = (Z - mu) / jnp.sqrt(var + 1e-5) * ln_gamma + ln_beta
    Z = jnp.transpose(Z, (0, 2, 3, 1))  # (B, N, F_time, T)
    # final conv: Conv2d(len_input/time_strides=1, num_for_predict=1, kernel=(1, nb_time_filter))
    Zf = jnp.transpose(Z, (0, 3, 1, 2))  # (B, T, N, F_time)
    out = jax.lax.conv_general_dilated(Zf, W_final, (1, 1), 'VALID',
                                       dimension_numbers=('NCHW', 'OIHW', 'NCHW'))
    out = out + b_final.reshape(1, -1, 1, 1)  # (B, 1, N, 1)
    out = out[:, :, :, -1]  # (B, 1, N)
    out = jnp.transpose(out, (0, 2, 1))  # (B, N, 1)
    return out[0]  # h = h[0] in the Model forward -> (N, 1)


def reference(x, edge_index, edge_weight, W_cheb, b_cheb, W_time, b_time, W_res, b_res, ln_gamma, ln_beta, W_final, b_final):
    h = _mstgcn_forward(x, W_cheb, b_cheb, W_time, b_time, W_res, b_res, ln_gamma, ln_beta, W_final, b_final)
    return (h,)

if __name__ == "__main__":
    import jax
    _d = setup_inputs()
    print(jax.jit(kernel)(*tuple(_d.values())))

</pallas_src>

<mosaic_0001>
module attributes {stable_mosaic.version = 14 : i64} {
  func.func @_body(%arg0: i32, %arg1: memref<1x4096x128xf32, #tpu.memory_space<vmem>>, %arg2: memref<8x128xf32, #tpu.memory_space<vmem>>, %arg3: memref<1x8xf32, #tpu.memory_space<vmem>>, %arg4: memref<1x4096xf32, #tpu.memory_space<vmem>>) attributes {dimension_semantics = [#tpu.dimension_semantics<arbitrary>], iteration_bounds = array<i64: 9>, scalar_prefetch = 0 : i64, scratch_operands = 0 : i64, tpu.core_type = #tpu.core_type<tc>, window_params = [{transform_indices = @transform_0, window_bounds = array<i64: 1, 4096, 128>}, {pipeline_mode = #tpu.pipeline_mode<synchronous>, transform_indices = @transform_1, window_bounds = array<i64: 8, 128>}, {pipeline_mode = #tpu.pipeline_mode<synchronous>, transform_indices = @transform_2, window_bounds = array<i64: 1, 8>}, {transform_indices = @transform_3, window_bounds = array<i64: 1, 4096>}]} {
    %get3A = arith.constant 0 : index
    %get3A_0 = arith.constant 0 : index
    %get3A_1 = arith.constant 0 : index
    %get3A_2 = vector.load %arg1[%get3A, %get3A_0, %get3A_1] : memref<1x4096x128xf32, #tpu.memory_space<vmem>>, vector<1x4096x128xf32>
    %get3A_3 = vector.shape_cast %get3A_2 : vector<1x4096x128xf32> to vector<4096x128xf32>
    %get3A_4 = arith.constant 0 : index
    %get3A_5 = arith.constant 0 : index
    %get3A_6 = vector.load %arg2[%get3A_4, %get3A_5] : memref<8x128xf32, #tpu.memory_space<vmem>>, vector<8x128xf32>
    %dot_general3A = arith.constant dense<0.000000e+00> : vector<8x4096xf32>
    %dot_general3A_7 = tpu.matmul %get3A_6, %get3A_3, %dot_general3A {dimension_numbers = #tpu.dot_dimension_numbers<[1], [1], [0], [0], [0, 0, 1, 0], [], []>, transpose_lhs_hint = false} : vector<8x128xf32>, vector<4096x128xf32>, vector<8x4096xf32> -> vector<8x4096xf32>
    %slice3A = vector.extract_strided_slice %dot_general3A_7 {offsets = [0, 0], sizes = [1, 4096], strides = [1, 1]} : vector<8x4096xf32> to vector<1x4096xf32>
    %slice3A_8 = vector.extract_strided_slice %dot_general3A_7 {offsets = [1, 0], sizes = [1, 4096], strides = [1, 1]} : vector<8x4096xf32> to vector<1x4096xf32>
    %get3A_9 = arith.constant 0 : index
    %get3A_10 = arith.constant 0 : index
    %get3A_11 = vector.load %arg3[%get3A_9, %get3A_10] : memref<1x8xf32, #tpu.memory_space<vmem>>, vector<1x1xf32>
    %get3A_12 = arith.constant 0 : index
    %get3A_13 = arith.constant 1 : index
    %get3A_14 = vector.load %arg3[%get3A_12, %get3A_13] : memref<1x8xf32, #tpu.memory_space<vmem>>, vector<1x1xf32>
    %get3A_15 = arith.constant 0 : index
    %get3A_16 = arith.constant 2 : index
    %get3A_17 = vector.load %arg3[%get3A_15, %get3A_16] : memref<1x8xf32, #tpu.memory_space<vmem>>, vector<1x1xf32>
    %get3A_18 = arith.constant 0 : index
    %get3A_19 = arith.constant 3 : index
    %get3A_20 = vector.load %arg3[%get3A_18, %get3A_19] : memref<1x8xf32, #tpu.memory_space<vmem>>, vector<1x1xf32>
    %get3A_21 = arith.constant 0 : index
    %get3A_22 = arith.constant 4 : index
    %get3A_23 = vector.load %arg3[%get3A_21, %get3A_22] : memref<1x8xf32, #tpu.memory_space<vmem>>, vector<1x1xf32>
    %get3A_24 = arith.constant 0 : index
    %get3A_25 = arith.constant 5 : index
    %get3A_26 = vector.load %arg3[%get3A_24, %get3A_25] : memref<1x8xf32, #tpu.memory_space<vmem>>, vector<1x1xf32>
    %get3A_27 = arith.constant 0 : index
    %get3A_28 = arith.constant 6 : index
    %get3A_29 = vector.load %arg3[%get3A_27, %get3A_28] : memref<1x8xf32, #tpu.memory_space<vmem>>, vector<1x1xf32>
    %get3A_30 = arith.constant 0 : index
    %get3A_31 = arith.constant 7 : index
    %get3A_32 = vector.load %arg3[%get3A_30, %get3A_31] : memref<1x8xf32, #tpu.memory_space<vmem>>, vector<1x1xf32>
    %add3A = vector.broadcast %get3A_11 : vector<1x1xf32> to vector<1x4096xf32>
    %add3A_33 = arith.addf %slice3A, %add3A : vector<1x4096xf32>
    %max3A = arith.constant 0.000000e+00 : f32
    %max3A_34 = vector.broadcast %max3A : f32 to vector<1x4096xf32>
    %max3A_35 = arith.maximumf %add3A_33, %max3A_34 : vector<1x4096xf32>
    %mul3A = vector.broadcast %get3A_14 : vector<1x1xf32> to vector<1x4096xf32>
    %mul3A_36 = arith.mulf %max3A_35, %mul3A : vector<1x4096xf32>
    %add3A_37 = vector.broadcast %get3A_17 : vector<1x1xf32> to vector<1x4096xf32>
    %add3A_38 = arith.addf %mul3A_36, %add3A_37 : vector<1x4096xf32>
    %add3A_39 = vector.broadcast %get3A_20 : vector<1x1xf32> to vector<1x4096xf32>
    %add3A_40 = arith.addf %slice3A_8, %add3A_39 : vector<1x4096xf32>
    %add3A_41 = arith.addf %add3A_40, %add3A_38 : vector<1x4096xf32>
    %max3A_42 = arith.constant 0.000000e+00 : f32
    %max3A_43 = vector.broadcast %max3A_42 : f32 to vector<1x4096xf32>
    %max3A_44 = arith.maximumf %add3A_41, %max3A_43 : vector<1x4096xf32>
    %sub3A = arith.subf %max3A_44, %max3A_44 : vector<1x4096xf32>
    %mul3A_45 = arith.mulf %sub3A, %sub3A : vector<1x4096xf32>
    %add3A_46 = arith.constant 9.99999974E-6 : f32
    %add3A_47 = vector.broadcast %add3A_46 : f32 to vector<1x4096xf32>
    %add3A_48 = arith.addf %mul3A_45, %add3A_47 : vector<1x4096xf32>
    %rsqrt3A = math.rsqrt %add3A_48 : vector<1x4096xf32>
    %mul3A_49 = arith.mulf %sub3A, %rsqrt3A : vector<1x4096xf32>
    %mul3A_50 = vector.broadcast %get3A_23 : vector<1x1xf32> to vector<1x4096xf32>
    %mul3A_51 = arith.mulf %mul3A_49, %mul3A_50 : vector<1x4096xf32>
    %add3A_52 = vector.broadcast %get3A_26 : vector<1x1xf32> to vector<1x4096xf32>
    %add3A_53 = arith.addf %mul3A_51, %add3A_52 : vector<1x4096xf32>
    %mul3A_54 = vector.broadcast %get3A_29 : vector<1x1xf32> to vector<1x4096xf32>
    %mul3A_55 = arith.mulf %add3A_53, %mul3A_54 : vector<1x4096xf32>
    %add3A_56 = vector.broadcast %get3A_32 : vector<1x1xf32> to vector<1x4096xf32>
    %add3A_57 = arith.addf %mul3A_55, %add3A_56 : vector<1x4096xf32>
    %swap3A = arith.constant 0 : index
    %swap3A_58 = arith.constant 0 : index
    %swap3A_59 = vector.load %arg4[%swap3A, %swap3A_58] : memref<1x4096xf32, #tpu.memory_space<vmem>>, vector<1x4096xf32>
    tpu.vector_store %arg4[%swap3A, %swap3A_58], %add3A_57 {strides = array<i32>} : memref<1x4096xf32, #tpu.memory_space<vmem>>, vector<1x4096xf32>,
    return
  }
  func.func @transform_0(%arg0: i32) -> (i32, i32, i32) {
    %c0_i32 = arith.constant 0 : i32
    %c0_i32_0 = arith.constant 0 : i32
    %c0_i32_1 = arith.constant 0 : i32
    return %c0_i32, %arg0, %c0_i32_0 : i32, i32, i32
  }
  func.func @transform_1(%arg0: i32) -> (i32, i32) {
    %c0_i32 = arith.constant 0 : i32
    %c0_i32_0 = arith.constant 0 : i32
    %c0_i32_1 = arith.constant 0 : i32
    return %c0_i32, %c0_i32_0 : i32, i32
  }
  func.func @transform_2(%arg0: i32) -> (i32, i32) {
    %c0_i32 = arith.constant 0 : i32
    %c0_i32_0 = arith.constant 0 : i32
    %c0_i32_1 = arith.constant 0 : i32
    return %c0_i32, %c0_i32_0 : i32, i32
  }
  func.func @transform_3(%arg0: i32) -> (i32, i32) {
    %c0_i32 = arith.constant 0 : i32
    %c0_i32_0 = arith.constant 0 : i32
    return %c0_i32, %arg0 : i32, i32
  }
}

</mosaic_0001>

<sc_bundles>
// kernel: sparse-core-data-format-call.cloned.1.call-start
scs
called_computation_lowered:
.L_overlay_start_0:
0x0: {  	s2 =	sld [smem:$0x3FD9]  }
0x1: {  	s3 =	sld [smem:$0x3FFE];
	_ =	sdelay $0x1  }
0x2: {  	s1 =	srdreg.scid  }
0x3: {  	s0 =	sand.u32 $0x1, s1  }
0x4: {  	s18 =	sshll.u32 s0, $0xA;
	s2 =	sadd.s32 s3, s2  }
0x5: {  	s2 =	sadd.s32 s2, s18  }
0x6: {  	[smem:$0x3FBD] =	sst s2  }
0x7: {  	_ = 	snop  }
0x8: {  	s2 =	sld [smem:$0x3FC9];
	(tm) =	ssettm $0x1  }
0x9: {  	s19 =	sld [smem:$0x3FFB];
	_ =	sdelay $0x3  }
0xa: {  	_ =	strace s19  }
0xb: {  	s3 =	sld [smem:$0x3FFC];
	_ =	sdelay $0x3  }
0xc: {  	_ =	strace s3  }
0xd: {  	s3 =	sld [smem:$0x3FFD];
	_ =	sdelay $0x3  }
0xe: {  	_ =	strace s3  }
0xf: {  	_ =	strace $0x8FFFFFFF  }
0x10: {  	s20 =	sld [smem:$0x3FDB];
	_ =	sdelay $0x1  }
0x11: {  	s4 =	simm.s32 $_scs_section_size  }
0x12: {  	s5 =	simm.s32 $_size__tile_overlayer_lowered;
	s6 =	simm.s32 $_tile_overlayer_lowered  }
0x13: {  	s23 =	simm.s32 $0x1BFF;
	s22 =	sshll.u32 s6, $0x1;
	s3 =	sadd.s32 s4, s20  }
0x14: {  	s7 =	simm.s32 $0x0;
	s21 =	sshll.u32 s5, $0x1;
	s5 =	sadd.s32 s22, s3  }
0x15: {  	[timem:s7], [sflag:s23] =	dma.local [hbm:s5], s21  }
0x16: {  	_ =	swait.ge [sflag:s23], s21  }
0x17: {  	s4 =	ssub.s32 $0x0, s21;
	[sflag:s23] =	ssyncset.done $0x0  }
0x18: {  	[sflag:s23] =	ssyncadd.s32 s4;
	_ =	sdelay $0x1  }
0x19: {  	s24 =	simm.s32 $0x1B8B  }
0x1a: {  	_ =	swait.ge [sflag:s24], $0x1  }
0x1b: {  	[sflag:s24] =	ssyncset.done $0x0  }
0x1c: {  	s26 =	simm.s32 $0x1B8E;
	s25 =	sld [smem:$0x3FFE];
	[sflag:s24] =	ssyncadd.s32 $0xFFFFFFFF  }
0x1d: {  	s27 =	simm.s32 $execute0_lowered;
	[smem:$0x3FD2] =	sst s26  }
0x1e: {  	s5 =	sshll.u32 s27, $0x1;
	_ =	strace $0x80000046;
	[dreg:$0x1] =	wrdreg $0xFFFFFFFF  }
0x1f: {  	s28 =	simm.s32 $_size_execute0_lowered;
	s3 =	sadd.s32 s3, s5;
	[dreg:$0x0] =	wrdreg $0x0  }
0x20: {  	s5 =	sshll.u32 s28, $0x1;
	[dreg:$0x2] =	wrdreg s3  }
0x21: {  	[dreg:$0x3] =	wrdreg s5  }
0x22: {  	[dreg:$0x4] =	wrdreg $0xC0  }
0x23: {  	_ =	task [dreg:s7], $0x5FFFF  }
0x24: {  	[dreg:$0x1] =	wrdreg $0xFFFFFFFF  }
0x25: {  	[dreg:$0x0] =	wrdreg $0x60  }
0x26: {  	[dreg:$0x2] =	wrdreg s2  }
0x27: {  	[dreg:$0x3] =	wrdreg s25  }
0x28: {  	[dreg:$0x4] =	wrdreg $0x9  }
0x29: {  	_ =	task.clear_ibuf [dreg:s7], $0x5FFFF;
	_ =	strace $0x90000046  }
0x2a: {  	s29 =	simm.s32 $0x9;
	_ =	strace $0x80000048  }
0x2b: {  	_ =	swait.ge [sflag:s29], $0x1  }
0x2c: {  	[sflag:s29] =	ssyncadd.s32 $0xFFFFFFFF  }
0x2d: {  	_ =	strace $0x90000048  }
0x2e: {  	_ =	sfence  }
0x2f: {  	s30 =	sld [smem:$0x0];
	_ =	sdelay $0x2  }
0x30: {  	s31 =	sshll.u32 s1, $0xD;
	s1 =	sshrl.u32 s1, $0x2  }
0x31: {  	s3 =	sand.u32 $0x4000, s31;
	s1 =	sadd.s32 s1, s30  }
0x32: {  	s0 =	sor.u32 s3, s0;
	s1 =	sshll.u32 s1, $0x11  }
0x33: {  	s0 =	sor.u32 s1, s0  }
0x34: {  	s0 =	sadd.s32 $0x8F2B, s0  }
0x35: {  	[sflag:s0] =	ssyncadd.remote.s32 $0x1  }
0x36: {  	_ =	sfence.sel $0xFFFF  }
0x37: {  	[dreg:$0x0] =	wrdreg $0xFFFFFFFF;
	(pc) =	sbr.abs _section_cstart, $3  }
0x38: {  	[dreg:$0x1] =	wrdreg $0xFFFFFFFF  }
0x39: {  	_ =	task.clear_ibuf [dreg:s7], $0x2FFFF;
	_ =	strace $0x9FFFFFFF  }
0x3a: {  	(tm) =	ssettm $0x7FFFFFFF  }
0x3b: {  	_ =	shalt  }
tec
execute0_lowered:
.L_overlay_start_1:
0x0: {  	(tag) =	ssettag $0x1  }
0x1: {  	s2 =	rddreg [dreg:$0x0]  }
0x2: {  	s0 =	stileid.u32;
	s1 =	srdreg.scid  }
0x3: {  	s3 =	rddreg [dreg:$0x1];
	s6 =	simm.s32 $0x1;
	s8 =	simm.s32 $0x2  }
0x4: {  	s9 =	simm.s32 $0x0;
	s10 =	simm.s32 $0x0;
	s16 =	simm.s32 $0x0  }
0x5: {  	s17 =	simm.s32 $0x0;
	s11 =	simm.s32 $0x0;
	s12 =	simm.s32 $0x0  }
0x6: {  	s15 =	simm.s32 $0x0;
	s4 =	sshll.u32 s0, $0x5;
	s5 =	sshll.u32 s1, $0x9  }
.Ltmp0:
0x7: {  	s25 =	simm.s32 $0x0;
	s4 =	sor.u32 s4, s5;
	(pc) =	sbr.rel .LBB1_1-.Ltmp0, $4  }
0x8: {  	s1 =	rddreg [dreg:$0x2];
	_ =	strace $0x80000047;
	s4 =	sand.u32 $0x380, s4  }
0x9: {  	s3 =	sadd.s32 $0xA00, s3;
	[sflag:s6] =	ssyncpa.u1 $0x0;
	s7 =	ssub.s32 $0x8180, s4  }
0xa: {  	s5 =	sand.u32 $0x3, s0;
	[sflag:s8] =	ssyncpa.u1 $0x0;
	s7 =	sshrl.u32 s7, $0xA  }
0xb: {  	s14 =	smov.u32 s5;
	s13 =	smov.u32 s4;
	s8 =	sadd.s32 $0x2, s7  }
.LBB1_10:
0xc: {  	s21 =	sand.u32 $0x1FFFFFF, s11;
	p0 =	sgt.s32 s11, $0x8128;
	s22 =	smov.u32 s11  }
0xd: {  	s23 =	smulhi.u32 $0x1F975AB, s21;
	s22 =	simm.s32 @!p0 $0x8128  }
0xe: {  	s18 =	sadd.s32 s18, s22  }
0xf: {  	s27 =	sshrl.u32 s23, $0x8;
	s28 =	sadd.s32 $0xFFFF7ED8, s18  }
0x10: {  	s18 =	ssub.s32 $0x81A8, s18;
	s22 =	smul.u32 $0x81A8, s27;
	p0 =	sgt.s32 s28, $0x7F  }
0x11: {  	s29 =	smul.u32 $0x81A80, s12;
	s18 =	simm.s32 @p0 $0x0  }
0x12: {  	s21 =	ssub.s32 s21, s22;
	s18 =	smul.u32 s18, s19  }
0x13: {  	s31 =	sadd.s32 s3, s29;
	s30 =	sshll.u32 s21, $0x4  }
0x14: {  	s20 =	sor.u32 $0x8000, s20;
	s18 =	sand.u32 $0x3FFFFF80, s18;
	s19 =	sadd.s32 s30, s31  }
0x15: {  	[hbm4b:s19+s9] =	stream.linear.scatter [tilespmem:s20], [sflag:$0x2], s18, $0x38;
	[tilespmem:$0x10000] =	vst v63  }
.LBB1_11:
0x16: {  	p0 =	slt.u32 s15, $0x2  }
0x17: {  	p1 =	sgt.s32 @!p0 s17, $0x3  }
0x18: {  	s18 =	smov.u32 s17;
	s19 =	sshra.s32 @!p0 s17, $0x1F;
	p1 =	por !p1, p0  }
0x19: {  	s20 =	sshra.s32 @!p0 s16, $0x1F;
	s18 =	simm.s32 @p1 $0x3;
	p1 =	sgt.s32 @!p0 s16, $0x8128  }
0x1a: {  	s17 =	sand.u32 @!p0 s19, s17;
	s19 =	smov.u32 s16;
	p1 =	por !p1, p0  }
0x1b: {  	s16 =	sand.u32 @!p0 s20, s16;
	s17 =	ssub.s32 @!p0 s18, s17;
	s19 =	simm.s32 @p1 $0x8128  }
0x1c: {  	s17 =	sadd.s32 @!p0 $0xFFFFFFFD, s17;
	s16 =	ssub.s32 @!p0 s19, s16  }
0x1d: {  	s20 =	smov.u32 s14;
	p1 =	sgt.s32 @!p0 s17, $0x0;
	s18 =	sadd.s32 @!p0 $0xFFFF7ED8, s16  }
0x1e: {  	s17 =	sshll.u32 @!p0 s17, $0x7;
	s16 =	ssub.s32 @!p0 $0x81A8, s16;
	p2 =	sgt.s32 @!p0 s18, $0x7F  }
0x1f: {  	s17 =	ssub.s32 @!p0 $0x80, s17;
	p1 =	por !p1, p0;
	p2 =	por !p2, p0  }
0x20: {  	s17 =	simm.s32 @!p1 $0x0;
	s18 =	sadd.s32 $0x400, s13;
	s16 =	simm.s32 @!p2 $0x0  }
0x21: {  	p1 =	sgt.s32 s18, $0x81A6;
	s16 =	smul.u32 @!p0 s16, s17;
	s17 =	sadd.s32 $0x4, s14  }
0x22: {  	s20 =	smov.u32 @p1 s17  }
0x23: {  	s18 =	smov.u32 @p1 s4;
	p1 =	sgt.s32 s20, $0x3  }
0x24: {  	s20 =	smov.u32 @p1 s5;
	p1 =	sne.s32 s15, s8  }
.Ltmp1:
0x25: {  	s10 =	sadd.s32 $0x4000, s10;
	s19 =	simm.s32 @!p0 $0x2;
	(pc) =	sbr.rel @!p1 .LBB1_12-.Ltmp1, $4  }
0x26: {  	s17 =	smov.u32 s12;
	s12 =	smov.u32 s14;
	s16 =	sand.u32 @!p0 $0x3FFFFF80, s16  }
0x27: {  	_ =	swait.ge @!p0 [sflag:s19], s16;
	s21 =	ssub.s32 @!p0 $0x0, s16;
	s16 =	smov.u32 s11  }
0x28: {  	s15 =	sadd.s32 $0x1, s15;
	s11 =	smov.u32 s13;
	[sflag:s19] =	ssyncset.done @!p0 $0x0  }
0x29: {  	s13 =	smov.u32 s18;
	s14 =	smov.u32 s20;
	[sflag:s19] =	ssyncadd.s32 @!p0 s21  }
.LBB1_1:
0x2a: {  	p0 =	sgt.u32 s15, s7  }
0x2b: {  	p1 =	sgt.s32 @!p0 s14, $0x3  }
0x2c: {  	s18 =	smov.u32 s14;
	s20 =	smov.u32 s13;
	p1 =	por !p1, p0  }
0x2d: {  	s19 =	sshra.s32 @!p0 s14, $0x1F;
	s18 =	simm.s32 @p1 $0x3;
	p1 =	sgt.s32 @!p0 s13, $0x8127  }
0x2e: {  	s21 =	sshra.s32 @!p0 s13, $0x1F;
	s19 =	sand.u32 @!p0 s19, s14;
	p1 =	por !p1, p0  }
0x2f: {  	s21 =	sand.u32 @!p0 s21, s13;
	s18 =	ssub.s32 @!p0 s18, s19;
	s20 =	simm.s32 @p1 $0x8127  }
0x30: {  	s18 =	sadd.s32 @!p0 $0xFFFFFFFD, s18;
	s19 =	ssub.s32 @!p0 s20, s21  }
0x31: {  	p1 =	sgt.s32 @!p0 s18, $0x0;
	s18 =	sshll.u32 @!p0 s18, $0x7;
	s20 =	sadd.s32 @!p0 $0xFFFF7ED9, s19  }
0x32: {  	s21 =	smul.u32 @!p0 $0x81A70, s14;
	s19 =	ssub.s32 @!p0 $0x81A7, s19;
	p2 =	sgt.s32 @!p0 s20, $0x7F  }
0x33: {  	s18 =	ssub.s32 @!p0 $0x80, s18;
	p1 =	por !p1, p0;
	p2 =	por !p2, p0  }
0x34: {  	s20 =	sxor.u32 @!p0 $0xFFFFFFFF, s15;
	s18 =	simm.s32 @!p1 $0x0;
	s19 =	simm.s32 @!p2 $0x0  }
0x35: {  	s20 =	sshll.u32 @!p0 s20, $0xE;
	s18 =	smul.u32 @!p0 s19, s18  }
0x36: {  	s21 =	sadd.s32 @!p0 s2, s21;
	s19 =	sand.u32 @!p0 $0x4000, s20;
	s20 =	sshll.u32 @!p0 s13, $0x4  }
0x37: {  	s20 =	sadd.s32 @!p0 s20, s21;
	s21 =	simm.s32 @!p0 $0x0;
	s18 =	sand.u32 @!p0 $0x3FFFFF80, s18  }
0x38: {  	[tilespmem:s19], [sflag:$0x1] =	stream.linear.gather @!p0 [hbm4b:s20+s21], s18, $0x38;
	[tilespmem:$0x10000] =	vst v63  }
0x39: {  	p0 =	seq.s32 s15, $0x0  }
0x3a: {  	p1 =	sge.u32 @!p0 s15, s8  }
0x3b: {  	p0 =	por p0, p1  }
.Ltmp2:
0x3c: {  	_ = 	snop;
	(pc) =	sbr.rel @p0 .LBB1_11-.Ltmp2, $1  }
0x3d: {  	_ =	sdelay $0x3  }
0x3e: {  	p0 =	sgt.s32 s12, $0x3;
	s18 =	smov.u32 s12;
	s19 =	sshra.s32 s12, $0x1F  }
0x3f: {  	s20 =	ssub.s32 $0x0, s11;
	s18 =	simm.s32 @!p0 $0x3;
	s19 =	sand.u32 s19, s12  }
0x40: {  	s21 =	sshra.s32 s11, $0x1F;
	s22 =	smov.u32 s11;
	s19 =	ssub.s32 s18, s19  }
0x41: {  	p0 =	sgt.s32 s11, $0x8127;
	s18 =	sand.u32 s20, s21;
	s19 =	sadd.s32 $0xFFFFFFFD, s19  }
0x42: {  	s22 =	simm.s32 @!p0 $0x8127;
	p0 =	sgt.s32 s19, $0x0;
	s19 =	sshll.u32 s19, $0x7  }
0x43: {  	s21 =	sadd.s32 $0x1, s12;
	s20 =	sadd.s32 s18, s22;
	s19 =	ssub.s32 $0x80, s19  }
0x44: {  	s22 =	sadd.s32 $0x80, s11;
	s19 =	simm.s32 @p0 $0x0;
	p0 =	slt.s32 s21, $0x4  }
0x45: {  	s30 =	sadd.s32 $0xFFFF7ED9, s20;
	s21 =	simm.s32 @!p0 $0x4;
	p0 =	slt.s32 s22, $0x81A7  }
0x46: {  	s20 =	ssub.s32 $0x81A7, s20;
	s21 =	ssub.s32 s21, s12;
	s22 =	simm.s32 @!p0 $0x81A7  }
0x47: {  	p1 =	sgt.s32 s30, $0x7F;
	s22 =	ssub.s32 s22, s11;
	p0 =	slt.s32 s21, $0x1  }
0x48: {  	s20 =	simm.s32 @p1 $0x0;
	p1 =	slt.s32 @!p0 s22, $0x1  }
0x49: {  	s20 =	smul.u32 s20, s19;
	p1 =	por p0, p1  }
.Ltmp3:
0x4a: {  	_ = 	snop;
	(pc) =	sbr.rel @p1 .LBB1_10-.Ltmp3, $4  }
0x4b: {  	s20 =	sand.u32 $0x3FFFFF80, s20  }
0x4c: {  	_ =	swait.ge [sflag:s6], s20  }
0x4d: {  	s31 =	sshll.u32 s15, $0xE;
	s23 =	ssub.s32 $0x0, s20;
	[sflag:s6] =	ssyncset.done $0x0  }
0x4e: {  	s20 =	sand.u32 $0x4000, s31;
	[sflag:s6] =	ssyncadd.s32 s23  }
0x4f: {  	s23 =	sand.u32 $0x4000, s10  }
0x50: {  	s24 =	sor.u32 @!p0 $0x8000, s20;
	s26 =	simm.s32 $0x0;
	s23 =	sor.u32 $0x40, s23  }
.LBB1_4:
0x51: {  	s27 =	sshll.u32 s26, $0xE  }
0x52: {  	p1 =	sne.s32 s22, $0x1;
	s27 =	sadd.s32 s27, s24  }
.Ltmp4:
0x53: {  	v0 =	vmov s27;
	(pc) =	sbr.rel @!p1 .LBB1_5-.Ltmp4, $2  }
0x54: {  	_ =	sdelay $0x2  }
0x55: {  	v1 =	vld [tilespmem:s23+$0x30];
	s29 =	sadd.s32 $0xFFFFFFFF, s22;
	p0 =	por $0x0, $0x0  }
0x56: {  	v3 =	vld [tilespmem:s23+$0xFFFFFFD0]  }
0x57: {  	v6 =	vld [tilespmem:s23+$0xFFFFFFE0]  }
0x58: {  	v7 =	vld [tilespmem:s23+$0xFFFFFFF0];
	p1 =	sne.s32 s29, $0x1  }
.Ltmp5:
0x59: {  	s27 =	sand.u32 $0x3F80, s25;
	v2 =	vld [tilespmem:s23+$0x0];
	(pc) =	sbr.rel @!p1 .LBB1_7-.Ltmp5, $4  }
0x5a: {  	v4 =	vld [tilespmem:s23+$0x10];
	[tilespmem:v0+s27+$0x70 ss:$0x1] =	vst.idx.msk $0xffff, v1  }
0x5b: {  	v5 =	vld [tilespmem:s23+$0x20];
	[tilespmem:v0+s27+$0x10 ss:$0x1] =	vst.idx.msk $0xffff, v3  }
0x5c: {  	s28 =	sadd.s32 $0x80, s23;
	v3 =	vld [tilespmem:s23+$0xFFFFFFC0];
	[tilespmem:v0+s27+$0x20 ss:$0x1] =	vst.idx.msk $0xffff, v6  }
0x5d: {  	s30 =	sadd.s32 $0xFFFFFFFF, s29;
	p0 =	por $0x1, $0x1;
	s29 =	simm.s32 $0x0;
	v1 =	vld [tilespmem:s28+$0x30];
	[tilespmem:v0+s27+$0x30 ss:$0x1] =	vst.idx.msk $0xffff, v7  }
.LBB1_8:
0x5e: {  	p1 =	sne.s32 s30, $0x1;
	v6 =	vld [tilespmem:s28+$0xFFFFFFD0];
	[tilespmem:v0+s27+$0x40 ss:$0x1] =	vst.idx.msk $0xffff, v2  }
0x5f: {  	v7 =	vld [tilespmem:s28+$0xFFFFFFE0];
	[tilespmem:v0+s27+$0x50 ss:$0x1] =	vst.idx.msk $0xffff, v4  }
0x60: {  	s29 =	sadd.s32 $0x80, s29;
	v8 =	vld [tilespmem:s28+$0xFFFFFFF0];
	[tilespmem:v0+s27+$0x60 ss:$0x1] =	vst.idx.msk $0xffff, v5  }
.Ltmp6:
0x61: {  	v2 =	vld [tilespmem:s28+$0x0];
	[tilespmem:v0+s27+$0x0 ss:$0x1] =	vst.idx.msk $0xffff, v3;
	s27 =	sand.u32 $0x3F80, s29;
	(pc) =	sbr.rel @p1 .LBB1_8-.Ltmp6, $4  }
0x62: {  	v4 =	vld [tilespmem:s28+$0x10];
	[tilespmem:v0+s27+$0x70 ss:$0x1] =	vst.idx.msk $0xffff, v1  }
0x63: {  	[tilespmem:v0+s27+$0x10 ss:$0x1] =	vst.idx.msk $0xffff, v6;
	v5 =	vld [tilespmem:s28+$0x20]  }
0x64: {  	v3 =	vld [tilespmem:s28+$0xFFFFFFC0];
	[tilespmem:v0+s27+$0x20 ss:$0x1] =	vst.idx.msk $0xffff, v7;
	s28 =	sadd.s32 $0x80, s28  }
0x65: {  	s30 =	sadd.s32 $0xFFFFFFFF, s30;
	v1 =	vld [tilespmem:s28+$0x30];
	[tilespmem:v0+s27+$0x30 ss:$0x1] =	vst.idx.msk $0xffff, v8  }
.LBB1_9:
0x66: {  	_ =	sdelay $0x3  }
0x67: {  	v6 =	vld [tilespmem:s28+$0xFFFFFFD0];
	[tilespmem:v0+s27+$0x40 ss:$0x1] =	vst.idx.msk @p0 $0xffff, v2  }
0x68: {  	v58 =	vld [tilespmem:s28+$0xFFFFFFE0];
	s29 =	sadd.s32 @p0 $0x80, s29;
	s30 =	simm.s32 $0x0;
	[tilespmem:v0+s27+$0x50 ss:$0x1] =	vst.idx.msk @p0 $0xffff, v4  }
0x69: {  	v59 =	vld [tilespmem:s28+$0xFFFFFFF0];
	s30 =	smov.u32 @p0 s29;
	[tilespmem:v0+s27+$0x60 ss:$0x1] =	vst.idx.msk @p0 $0xffff, v5  }
0x6a: {  	v60 =	vld [tilespmem:s28+$0x0];
	s29 =	sand.u32 $0x3F80, s30;
	[tilespmem:v0+s27+$0x0 ss:$0x1] =	vst.idx.msk @p0 $0xffff, v3  }
0x6b: {  	v61 =	vld [tilespmem:s28+$0x10];
	[tilespmem:v0+s29+$0x70 ss:$0x1] =	vst.idx.msk $0xffff, v1  }
0x6c: {  	v62 =	vld [tilespmem:s28+$0x20];
	s26 =	sadd.s32 $0x1, s26;
	[tilespmem:v0+s29+$0x10 ss:$0x1] =	vst.idx.msk $0xffff, v6  }
0x6d: {  	v63 =	vld [tilespmem:s28+$0xFFFFFFC0];
	p0 =	sne.s32 s26, s21;
	[tilespmem:v0+s29+$0x20 ss:$0x1] =	vst.idx.msk $0xffff, v58  }
.Ltmp7:
0x6e: {  	[tilespmem:v0+s29+$0x30 ss:$0x1] =	vst.idx.msk $0xffff, v59;
	(pc) =	sbr.rel @p0 .LBB1_4-.Ltmp7, $4  }
.Ltmp8:
0x6f: {  	[tilespmem:v0+s29+$0x40 ss:$0x1] =	vst.idx.msk $0xffff, v60;
	(pc) =	sbr.rel @!p0 .LBB1_10-.Ltmp8, $4  }
0x70: {  	[tilespmem:v0+s29+$0x50 ss:$0x1] =	vst.idx.msk $0xffff, v61  }
0x71: {  	[tilespmem:v0+s29+$0x60 ss:$0x1] =	vst.idx.msk $0xffff, v62  }
0x72: {  	s23 =	sadd.s32 $0x4000, s23;
	[tilespmem:v0+s29+$0x0 ss:$0x1] =	vst.idx.msk $0xffff, v63  }
0x73: {  	_ = 	snop  }
.LBB1_5:
.Ltmp9:
0x74: {  	(pc) =	sbr.rel .LBB1_9-.Ltmp9, $2  }
0x75: {  	_ =	sdelay $0x2  }
0x76: {  	s28 =	smov.u32 s23;
	s29 =	simm.s32 $0x0  }
.LBB1_7:
.Ltmp10:
0x77: {  	(pc) =	sbr.rel .LBB1_9-.Ltmp10, $2  }
0x78: {  	_ =	sdelay $0x2  }
0x79: {  	s29 =	simm.s32 $0x0  }
.LBB1_12:
0x7a: {  	_ =	sfence.sel $0x180000  }
0x7b: {  	s2 =	simm.s32 $0x1;
	[bflag:$0x0] =	sbarrier.arrive $0xFFFF  }
0x7c: {  	s31 =	simm.s32 $0x2;
	[sflag:s2] =	ssyncpa.u1 $0x1  }
0x7d: {  	[sflag:s31] =	ssyncpa.u1 $0x1  }
0x7e: {  	p0 =	sne.s32 s0, $0x0;
	_ =	strace $0x90000047  }
0x7f: {  	s0 =	sadd.s32 @!p0 $0x100000, s1;
	[bflag:$0x2] =	sbarrier.arrive $0xFFFF  }
0x80: {  	[sflag:s0] =	ssyncadd.tile.s32 @!p0 $0x1;
	_ =	shalt  }
.Lfunc_end1:
_tile_overlayer_lowered:
.L_overlay_start_2:
0x81: {  	(tag) =	ssettag $0x2  }
0x82: {  	s0 =	rddreg [dreg:$0x0];
	s2 =	stileid.u32  }
0x83: {  	s1 =	rddreg [dreg:$0x1];
	p0 =	sne.s32 s2, $0x0  }
0x84: {  	s3 =	rddreg [dreg:$0x2];
	[bflag:$0x3] =	sbarrier.arrive $0xFFFF;
	s2 =	simm.s32 @!p0 $0x1C01  }
0x85: {  	[timem:s3], [sflag:s2] =	dma.local @!p0 [hbm:s0], s1  }
0x86: {  	s0 =	simm.s32 @!p0 $0x1  }
0x87: {  	_ =	swait.ge @!p0 [sflag:s0], s1  }
0x88: {  	s1 =	ssub.s32 @!p0 $0x0, s1;
	[sflag:s0] =	ssyncset.done @!p0 $0x0  }
0x89: {  	[sflag:s0] =	ssyncadd.s32 @!p0 s1  }
0x8a: {  	[bflag:$0x3] =	sbarrier.arrive $0xFFFF  }
0x8b: {  	_ =	shalt  }

</sc_bundles>
